<compile_context>
chip_gen: v7x
topology: tpu7x:2x2x1
jax: 0.10.2.dev20260603
libtpu: 0.0.44.dev20260713+nightly
codegen_flags: <defaults>
</compile_context>

<pallas_src>
import functools

import jax
import jax.numpy as jnp
from jax import lax
from jax.experimental import pallas as pl
from jax.experimental.pallas import tpu as pltpu

C1 = 384
C2 = 192
HH = 28


def _mean_body(x_ref, out_ref, *, nj, inv_hw):
    bi = pl.program_id(0)
    j = pl.program_id(1)
    partial = jnp.sum(x_ref[...], axis=(0, 1, 2))

    @pl.when(j == 0)
    def _():
        out_ref[bi, :] = jnp.zeros_like(partial)

    out_ref[bi, :] += partial

    @pl.when(j == nj - 1)
    def _():
        out_ref[bi, :] = out_ref[bi, :] * inv_hw


def _select_body(m_ref, w1_ref, w2_ref, s_ref):
    m = m_ref[...]
    y1 = lax.dot_general(m, w1_ref[...], (((1,), (1,)), ((), ())),
                         preferred_element_type=jnp.float32)
    y1 = jnp.maximum(y1, 0.0)
    z = lax.dot_general(y1, w2_ref[...], (((1,), (1,)), ((), ())),
                        preferred_element_type=jnp.float32)
    z = 1.0 / (1.0 + jnp.exp(-z))
    b = z.shape[0]
    ii = lax.broadcasted_iota(jnp.int32, (b, C1, C1), 1)
    jj = lax.broadcasted_iota(jnp.int32, (b, C1, C1), 2)
    zi = z[:, :, None]
    zj = z[:, None, :]
    before = (zj > zi) | ((zj == zi) & (jj < ii))
    rank = jnp.sum(before.astype(jnp.int32), axis=2)
    rr = lax.broadcasted_iota(jnp.int32, (b, C1, C2), 2)
    s_ref[...] = (rank[:, :, None] == rr).astype(jnp.float32)


def _gather_body(x_ref, s_ref, o_ref):
    xin = x_ref[0].reshape(-1, C1)
    o_ref[0] = lax.dot_general(
        xin, s_ref[0], (((1,), (0,)), ((), ())),
        preferred_element_type=jnp.float32).reshape(o_ref.shape[1:])


@jax.jit
def kernel(x, W1, W2):
    b, c, h, w = x.shape
    hw = h * w
    xt = jnp.transpose(x, (0, 2, 3, 1))
    nj = h // HH

    means = pl.pallas_call(
        functools.partial(_mean_body, nj=nj, inv_hw=1.0 / hw),
        grid=(b, nj),
        in_specs=[pl.BlockSpec((1, HH, w, c), lambda bi, j: (bi, j, 0, 0))],
        out_specs=pl.BlockSpec((b, c), lambda bi, j: (0, 0)),
        out_shape=jax.ShapeDtypeStruct((b, c), jnp.float32),
    )(xt)

    sel = pl.pallas_call(
        _select_body,
        out_shape=jax.ShapeDtypeStruct((b, C1, C2), jnp.float32),
    )(means, W1, W2)

    out_t = pl.pallas_call(
        _gather_body,
        grid=(b, nj),
        in_specs=[pl.BlockSpec((1, HH, w, c), lambda bi, j: (bi, j, 0, 0)),
                  pl.BlockSpec((1, C1, C2), lambda bi, j: (bi, 0, 0))],
        out_specs=pl.BlockSpec((1, HH, w, C2), lambda bi, j: (bi, j, 0, 0)),
        out_shape=jax.ShapeDtypeStruct((b, h, w, C2), jnp.float32),
    )(xt, sel)
    return jnp.transpose(out_t, (0, 3, 1, 2))

# --- scband reference (transcript-rebuilt; emitter-appended) ---
"""Pipeline reference for scband-se-sort-6408091205886 (READ-ONLY COPY).

The authoritative reference and input builder live on the scoring server;
editing this copy changes nothing except your own understanding.
"""

import jax, jax.numpy as jnp
import numpy as np

C1 = 384
C2 = 192
RATIO = 16

def setup_inputs(seed: int = 0) -> dict:
    key = jax.random.key(seed)
    k1, k2, k3 = jax.random.split(key, 3)
    x = jax.random.normal(k1, (4, C1, 224, 224), dtype=jnp.float32)
    # torch nn.Linear(c1, c1//ratio, bias=False) weight: [c1//ratio, c1]
    W1 = jax.random.normal(k2, (C1 // RATIO, C1), dtype=jnp.float32) * 0.05
    # torch nn.Linear(c1//ratio, c1, bias=False) weight: [c1, c1//ratio]
    W2 = jax.random.normal(k3, (C1, C1 // RATIO), dtype=jnp.float32) * 0.05
    return {"x": x, "W1": W1, "W2": W2}

def reference(x, W1, W2):
    b, c, h, w = x.shape
    # AdaptiveAvgPool2d(1) -> global average pool
    y = jnp.mean(x, axis=(2, 3))            # [b, c]
    y = y @ W1.T                            # [b, c//ratio]
    y = jnp.maximum(y, 0.0)                 # ReLU
    y = y @ W2.T                            # [b, c]
    y = jax.nn.sigmoid(y)                   # [b, c]
    # sort descending, keep top c2 channel indices
    indices = jnp.argsort(-y, axis=1)[:, :C2]   # [b, c2]
    # per-batch channel gather (vectorized equivalent of the python loop)
    out = jnp.take_along_axis(x, indices[:, :, None, None], axis=1)  # [b, c2, h, w]
    return out

if __name__ == "__main__":
    import jax
    _d = setup_inputs()
    print(jax.jit(kernel)(*tuple(_d.values())))

</pallas_src>

<mosaic_0001>
module attributes {stable_mosaic.version = 14 : i64} {
  func.func @_select_body(%arg0: memref<4x384xf32, #tpu.memory_space<vmem>>, %arg1: memref<24x384xf32, #tpu.memory_space<vmem>>, %arg2: memref<384x24xf32, #tpu.memory_space<vmem>>, %arg3: memref<4x384x192xf32, #tpu.memory_space<vmem>>) attributes {dimension_semantics = [], scalar_prefetch = 0 : i64, scratch_operands = 0 : i64, tpu.core_type = #tpu.core_type<tc>} {
    %get3A = arith.constant 0 : index
    %get3A_0 = arith.constant 0 : index
    %get3A_1 = vector.load %arg0[%get3A, %get3A_0] : memref<4x384xf32, #tpu.memory_space<vmem>>, vector<4x384xf32>
    %get3A_2 = arith.constant 0 : index
    %get3A_3 = arith.constant 0 : index
    %get3A_4 = vector.load %arg1[%get3A_2, %get3A_3] : memref<24x384xf32, #tpu.memory_space<vmem>>, vector<24x384xf32>
    %dot_general3A = arith.constant dense<0.000000e+00> : vector<4x24xf32>
    %dot_general3A_5 = tpu.matmul %get3A_1, %get3A_4, %dot_general3A {dimension_numbers = #tpu.dot_dimension_numbers<[1], [1], [0], [0], [0, 0, 1, 0], [], []>, transpose_lhs_hint = false} : vector<4x384xf32>, vector<24x384xf32>, vector<4x24xf32> -> vector<4x24xf32>
    %max3A = arith.constant 0.000000e+00 : f32
    %max3A_6 = vector.broadcast %max3A : f32 to vector<4x24xf32>
    %max3A_7 = arith.maximumf %dot_general3A_5, %max3A_6 : vector<4x24xf32>
    %get3A_8 = arith.constant 0 : index
    %get3A_9 = arith.constant 0 : index
    %get3A_10 = vector.load %arg2[%get3A_8, %get3A_9] : memref<384x24xf32, #tpu.memory_space<vmem>>, vector<384x24xf32>
    %dot_general3A_11 = arith.constant dense<0.000000e+00> : vector<4x384xf32>
    %dot_general3A_12 = tpu.matmul %max3A_7, %get3A_10, %dot_general3A_11 {dimension_numbers = #tpu.dot_dimension_numbers<[1], [1], [0], [0], [0, 0, 1, 0], [], []>, transpose_lhs_hint = false} : vector<4x24xf32>, vector<384x24xf32>, vector<4x384xf32> -> vector<4x384xf32>
    %neg3A = arith.constant 0.000000e+00 : f32
    %neg3A_13 = vector.broadcast %neg3A : f32 to vector<4x384xf32>
    %neg3A_14 = arith.subf %neg3A_13, %dot_general3A_12 : vector<4x384xf32>
    %exp3A = math.exp %neg3A_14 : vector<4x384xf32>
    %add3A = arith.constant 1.000000e+00 : f32
    %add3A_15 = vector.broadcast %add3A : f32 to vector<4x384xf32>
    %add3A_16 = arith.addf %add3A_15, %exp3A : vector<4x384xf32>
    %div3A = arith.constant 1.000000e+00 : f32
    %div3A_17 = vector.broadcast %div3A : f32 to vector<4x384xf32>
    %div3A_18 = arith.divf %div3A_17, %add3A_16 : vector<4x384xf32>
    %iota3A = tpu.iota {dimensions = array<i32: 1>} : vector<4x384x384xi32>
    %iota3A_19 = tpu.iota {dimensions = array<i32: 2>} : vector<4x384x384xi32>
    %broadcast_in_dim3A = vector.shape_cast %div3A_18 : vector<4x384xf32> to vector<4x384x1xf32>
    %broadcast_in_dim3A_20 = vector.shape_cast %div3A_18 : vector<4x384xf32> to vector<4x1x384xf32>
    %gt3A = vector.broadcast %broadcast_in_dim3A_20 : vector<4x1x384xf32> to vector<4x384x384xf32>
    %gt3A_21 = vector.broadcast %broadcast_in_dim3A : vector<4x384x1xf32> to vector<4x384x384xf32>
    %gt3A_22 = arith.cmpf ogt, %gt3A, %gt3A_21 : vector<4x384x384xf32>
    %eq3A = vector.broadcast %broadcast_in_dim3A_20 : vector<4x1x384xf32> to vector<4x384x384xf32>
    %eq3A_23 = vector.broadcast %broadcast_in_dim3A : vector<4x384x1xf32> to vector<4x384x384xf32>
    %eq3A_24 = arith.cmpf oeq, %eq3A, %eq3A_23 : vector<4x384x384xf32>
    %lt3A = arith.cmpi slt, %iota3A_19, %iota3A : vector<4x384x384xi32>
    %and3A = arith.andi %eq3A_24, %lt3A : vector<4x384x384xi1>
    %or3A = arith.ori %gt3A_22, %and3A : vector<4x384x384xi1>
    %convert_element_type3A = arith.extui %or3A : vector<4x384x384xi1> to vector<4x384x384xi32>
    %reduce_sum3A = arith.constant dense<0> : vector<4x384xi32>
    %reduce_sum3A_25 = vector.multi_reduction <add>, %convert_element_type3A, %reduce_sum3A [2] : vector<4x384x384xi32> to vector<4x384xi32>
    %iota3A_26 = tpu.iota {dimensions = array<i32: 2>} : vector<4x384x192xi32>
    %broadcast_in_dim3A_27 = vector.shape_cast %reduce_sum3A_25 : vector<4x384xi32> to vector<4x384x1xi32>
    %eq3A_28 = vector.broadcast %broadcast_in_dim3A_27 : vector<4x384x1xi32> to vector<4x384x192xi32>
    %eq3A_29 = arith.cmpi eq, %eq3A_28, %iota3A_26 : vector<4x384x192xi32>
    %convert_element_type3A_30 = arith.extui %eq3A_29 : vector<4x384x192xi1> to vector<4x384x192xi32>
    %convert_element_type3A_31 = arith.sitofp %convert_element_type3A_30 : vector<4x384x192xi32> to vector<4x384x192xf32>
    %swap3A = arith.constant 0 : index
    %swap3A_32 = arith.constant 0 : index
    %swap3A_33 = arith.constant 0 : index
    %swap3A_34 = vector.load %arg3[%swap3A, %swap3A_32, %swap3A_33] : memref<4x384x192xf32, #tpu.memory_space<vmem>>, vector<4x384x192xf32>
    tpu.vector_store %arg3[%swap3A, %swap3A_32, %swap3A_33], %convert_element_type3A_31 {strides = array<i32>} : memref<4x384x192xf32, #tpu.memory_space<vmem>>, vector<4x384x192xf32>,
    return
  }
}

module attributes {stable_mosaic.version = 14 : i64} {
  func.func @_mean_body(%arg0: i32, %arg1: i32, %arg2: memref<1x28x224x384xf32, #tpu.memory_space<vmem>>, %arg3: memref<4x384xf32, #tpu.memory_space<vmem>>) attributes {dimension_semantics = [#tpu.dimension_semantics<arbitrary>, #tpu.dimension_semantics<arbitrary>], iteration_bounds = array<i64: 4, 8>, scalar_prefetch = 0 : i64, scratch_operands = 0 : i64, tpu.core_type = #tpu.core_type<tc>, window_params = [{transform_indices = @transform_0, window_bounds = array<i64: 1, 28, 224, 384>}, {pipeline_mode = #tpu.pipeline_mode<synchronous>, transform_indices = @transform_1, window_bounds = array<i64: 4, 384>}]} {
    %get3A = arith.constant 0 : index
    %get3A_0 = arith.constant 0 : index
    %get3A_1 = arith.constant 0 : index
    %get3A_2 = arith.constant 0 : index
    %get3A_3 = vector.load %arg2[%get3A, %get3A_0, %get3A_1, %get3A_2] : memref<1x28x224x384xf32, #tpu.memory_space<vmem>>, vector<1x28x224x384xf32>
    %reduce_sum3A = arith.constant dense<0.000000e+00> : vector<384xf32>
    %reduce_sum3A_4 = vector.multi_reduction <add>, %get3A_3, %reduce_sum3A [0, 1, 2] : vector<1x28x224x384xf32> to vector<384xf32>
    %eq3A = arith.constant 0 : i32
    %eq3A_5 = arith.cmpi eq, %arg1, %eq3A : i32
    %convert_element_type3A = arith.extui %eq3A_5 : i1 to i32
    %cond3A = arith.constant 0 : i32
    %cond3A_6 = arith.cmpi ne, %convert_element_type3A, %cond3A : i32
    scf.if %cond3A_6 {
      %broadcast_in_dim3A = arith.constant 0.000000e+00 : f32
      %broadcast_in_dim3A_20 = vector.broadcast %broadcast_in_dim3A : f32 to vector<384xf32>
      %swap3A_21 = arith.index_cast %arg0 : i32 to index
      %swap3A_22 = arith.constant 0 : index
      %swap3A_23 = vector.load %arg3[%swap3A_21, %swap3A_22] : memref<4x384xf32, #tpu.memory_space<vmem>>, vector<1x384xf32>
      %swap3A_24 = vector.shape_cast %swap3A_23 : vector<1x384xf32> to vector<384xf32>
      %swap3A_25 = vector.shape_cast %broadcast_in_dim3A_20 : vector<384xf32> to vector<1x384xf32>
      tpu.vector_store %arg3[%swap3A_21, %swap3A_22], %swap3A_25 {strides = array<i32>} : memref<4x384xf32, #tpu.memory_space<vmem>>, vector<1x384xf32>,
    } else {
    }
    %get3A_7 = arith.index_cast %arg0 : i32 to index
    %get3A_8 = arith.constant 0 : index
    %get3A_9 = vector.load %arg3[%get3A_7, %get3A_8] : memref<4x384xf32, #tpu.memory_space<vmem>>, vector<1x384xf32>
    %get3A_10 = vector.shape_cast %get3A_9 : vector<1x384xf32> to vector<384xf32>
    %add3A = arith.addf %get3A_10, %reduce_sum3A_4 : vector<384xf32>
    %swap3A = arith.index_cast %arg0 : i32 to index
    %swap3A_11 = arith.constant 0 : index
    %swap3A_12 = vector.load %arg3[%swap3A, %swap3A_11] : memref<4x384xf32, #tpu.memory_space<vmem>>, vector<1x384xf32>
    %swap3A_13 = vector.shape_cast %swap3A_12 : vector<1x384xf32> to vector<384xf32>
    %swap3A_14 = vector.shape_cast %add3A : vector<384xf32> to vector<1x384xf32>
    tpu.vector_store %arg3[%swap3A, %swap3A_11], %swap3A_14 {strides = array<i32>} : memref<4x384xf32, #tpu.memory_space<vmem>>, vector<1x384xf32>,
    %eq3A_15 = arith.constant 7 : i32
    %eq3A_16 = arith.cmpi eq, %arg1, %eq3A_15 : i32
    %convert_element_type3A_17 = arith.extui %eq3A_16 : i1 to i32
    %cond3A_18 = arith.constant 0 : i32
    %cond3A_19 = arith.cmpi ne, %convert_element_type3A_17, %cond3A_18 : i32
    scf.if %cond3A_19 {
      %get3A_20 = arith.index_cast %arg0 : i32 to index
      %get3A_21 = arith.constant 0 : index
      %get3A_22 = vector.load %arg3[%get3A_20, %get3A_21] : memref<4x384xf32, #tpu.memory_space<vmem>>, vector<1x384xf32>
      %get3A_23 = vector.shape_cast %get3A_22 : vector<1x384xf32> to vector<384xf32>
      %mul3A = arith.constant 1.99298465E-5 : f32
      %mul3A_24 = vector.broadcast %mul3A : f32 to vector<384xf32>
      %mul3A_25 = arith.mulf %get3A_23, %mul3A_24 : vector<384xf32>
      %swap3A_26 = arith.index_cast %arg0 : i32 to index
      %swap3A_27 = arith.constant 0 : index
      %swap3A_28 = vector.load %arg3[%swap3A_26, %swap3A_27] : memref<4x384xf32, #tpu.memory_space<vmem>>, vector<1x384xf32>
      %swap3A_29 = vector.shape_cast %swap3A_28 : vector<1x384xf32> to vector<384xf32>
      %swap3A_30 = vector.shape_cast %mul3A_25 : vector<384xf32> to vector<1x384xf32>
      tpu.vector_store %arg3[%swap3A_26, %swap3A_27], %swap3A_30 {strides = array<i32>} : memref<4x384xf32, #tpu.memory_space<vmem>>, vector<1x384xf32>,
    } else {
    }
    return
  }
  func.func @transform_0(%arg0: i32, %arg1: i32) -> (i32, i32, i32, i32) {
    %c0_i32 = arith.constant 0 : i32
    %c0_i32_0 = arith.constant 0 : i32
    %c0_i32_1 = arith.constant 0 : i32
    return %arg0, %arg1, %c0_i32, %c0_i32_0 : i32, i32, i32, i32
  }
  func.func @transform_1(%arg0: i32, %arg1: i32) -> (i32, i32) {
    %c0_i32 = arith.constant 0 : i32
    %c0_i32_0 = arith.constant 0 : i32
    %c0_i32_1 = arith.constant 0 : i32
    return %c0_i32, %c0_i32_0 : i32, i32
  }
}

module attributes {stable_mosaic.version = 14 : i64} {
  func.func @_gather_body(%arg0: i32, %arg1: i32, %arg2: memref<1x28x224x384xf32, #tpu.memory_space<vmem>>, %arg3: memref<1x384x192xf32, #tpu.memory_space<vmem>>, %arg4: memref<1x28x224x192xf32, #tpu.memory_space<vmem>>) attributes {dimension_semantics = [#tpu.dimension_semantics<arbitrary>, #tpu.dimension_semantics<arbitrary>], iteration_bounds = array<i64: 4, 8>, scalar_prefetch = 0 : i64, scratch_operands = 0 : i64, tpu.core_type = #tpu.core_type<tc>, window_params = [{transform_indices = @transform_0, window_bounds = array<i64: 1, 28, 224, 384>}, {transform_indices = @transform_1, window_bounds = array<i64: 1, 384, 192>}, {transform_indices = @transform_2, window_bounds = array<i64: 1, 28, 224, 192>}]} {
    %get3A = arith.constant 0 : index
    %get3A_0 = arith.constant 0 : index
    %get3A_1 = arith.constant 0 : index
    %get3A_2 = arith.constant 0 : index
    %get3A_3 = vector.load %arg2[%get3A, %get3A_0, %get3A_1, %get3A_2] : memref<1x28x224x384xf32, #tpu.memory_space<vmem>>, vector<1x28x224x384xf32>
    %get3A_4 = vector.shape_cast %get3A_3 : vector<1x28x224x384xf32> to vector<28x224x384xf32>
    %reshape3A = vector.shape_cast %get3A_4 : vector<28x224x384xf32> to vector<6272x384xf32>
    %get3A_5 = arith.constant 0 : index
    %get3A_6 = arith.constant 0 : index
    %get3A_7 = arith.constant 0 : index
    %get3A_8 = vector.load %arg3[%get3A_5, %get3A_6, %get3A_7] : memref<1x384x192xf32, #tpu.memory_space<vmem>>, vector<1x384x192xf32>
    %get3A_9 = vector.shape_cast %get3A_8 : vector<1x384x192xf32> to vector<384x192xf32>
    %dot_general3A = arith.constant dense<0.000000e+00> : vector<6272x192xf32>
    %dot_general3A_10 = tpu.matmul %reshape3A, %get3A_9, %dot_general3A {dimension_numbers = #tpu.dot_dimension_numbers<[1], [0], [0], [1], [0, 0, 1, 1], [], []>, transpose_lhs_hint = false} : vector<6272x384xf32>, vector<384x192xf32>, vector<6272x192xf32> -> vector<6272x192xf32>
    %reshape3A_11 = vector.shape_cast %dot_general3A_10 : vector<6272x192xf32> to vector<28x224x192xf32>
    %swap3A = arith.constant 0 : index
    %swap3A_12 = arith.constant 0 : index
    %swap3A_13 = arith.constant 0 : index
    %swap3A_14 = arith.constant 0 : index
    %swap3A_15 = vector.load %arg4[%swap3A, %swap3A_12, %swap3A_13, %swap3A_14] : memref<1x28x224x192xf32, #tpu.memory_space<vmem>>, vector<1x28x224x192xf32>
    %swap3A_16 = vector.shape_cast %swap3A_15 : vector<1x28x224x192xf32> to vector<28x224x192xf32>
    %swap3A_17 = vector.shape_cast %reshape3A_11 : vector<28x224x192xf32> to vector<1x28x224x192xf32>
    tpu.vector_store %arg4[%swap3A, %swap3A_12, %swap3A_13, %swap3A_14], %swap3A_17 {strides = array<i32>} : memref<1x28x224x192xf32, #tpu.memory_space<vmem>>, vector<1x28x224x192xf32>,
    return
  }
  func.func @transform_0(%arg0: i32, %arg1: i32) -> (i32, i32, i32, i32) {
    %c0_i32 = arith.constant 0 : i32
    %c0_i32_0 = arith.constant 0 : i32
    %c0_i32_1 = arith.constant 0 : i32
    return %arg0, %arg1, %c0_i32, %c0_i32_0 : i32, i32, i32, i32
  }
  func.func @transform_1(%arg0: i32, %arg1: i32) -> (i32, i32, i32) {
    %c0_i32 = arith.constant 0 : i32
    %c0_i32_0 = arith.constant 0 : i32
    %c0_i32_1 = arith.constant 0 : i32
    return %arg0, %c0_i32, %c0_i32_0 : i32, i32, i32
  }
  func.func @transform_2(%arg0: i32, %arg1: i32) -> (i32, i32, i32, i32) {
    %c0_i32 = arith.constant 0 : i32
    %c0_i32_0 = arith.constant 0 : i32
    %c0_i32_1 = arith.constant 0 : i32
    return %arg0, %arg1, %c0_i32, %c0_i32_0 : i32, i32, i32, i32
  }
}

</mosaic_0001>

<sc_bundles>
// kernel: sparse-core-data-format-call.cloned.1.call-start
scs
called_computation_lowered:
.L_overlay_start_0:
0x0: {  	s2 =	sld [smem:$0x3FD9]  }
0x1: {  	s3 =	sld [smem:$0x3FFE];
	_ =	sdelay $0x1  }
0x2: {  	s1 =	srdreg.scid  }
0x3: {  	s0 =	sand.u32 $0x1, s1  }
0x4: {  	s18 =	sshll.u32 s0, $0xA;
	s2 =	sadd.s32 s3, s2  }
0x5: {  	s2 =	sadd.s32 s2, s18  }
0x6: {  	[smem:$0x3FC5] =	sst s2  }
0x7: {  	_ = 	snop  }
0x8: {  	s2 =	sld [smem:$0x3FD0];
	(tm) =	ssettm $0x1  }
0x9: {  	s19 =	sld [smem:$0x3FFB];
	_ =	sdelay $0x3  }
0xa: {  	_ =	strace s19  }
0xb: {  	s3 =	sld [smem:$0x3FFC];
	_ =	sdelay $0x3  }
0xc: {  	_ =	strace s3  }
0xd: {  	s3 =	sld [smem:$0x3FFD];
	_ =	sdelay $0x3  }
0xe: {  	_ =	strace s3  }
0xf: {  	_ =	strace $0x8FFFFFFF  }
0x10: {  	s20 =	sld [smem:$0x3FDB];
	_ =	sdelay $0x1  }
0x11: {  	s4 =	simm.s32 $_scs_section_size  }
0x12: {  	s5 =	simm.s32 $_size__tile_overlayer_lowered;
	s6 =	simm.s32 $_tile_overlayer_lowered  }
0x13: {  	s23 =	simm.s32 $0x1BFF;
	s22 =	sshll.u32 s6, $0x1;
	s3 =	sadd.s32 s4, s20  }
0x14: {  	s7 =	simm.s32 $0x0;
	s21 =	sshll.u32 s5, $0x1;
	s5 =	sadd.s32 s22, s3  }
0x15: {  	[timem:s7], [sflag:s23] =	dma.local [hbm:s5], s21  }
0x16: {  	_ =	swait.ge [sflag:s23], s21  }
0x17: {  	s4 =	ssub.s32 $0x0, s21;
	[sflag:s23] =	ssyncset.done $0x0  }
0x18: {  	[sflag:s23] =	ssyncadd.s32 s4;
	_ =	sdelay $0x1  }
0x19: {  	s24 =	simm.s32 $0x1B8B  }
0x1a: {  	_ =	swait.ge [sflag:s24], $0x1  }
0x1b: {  	[sflag:s24] =	ssyncset.done $0x0  }
0x1c: {  	s26 =	simm.s32 $0x1B8E;
	s25 =	sld [smem:$0x3FFE];
	[sflag:s24] =	ssyncadd.s32 $0xFFFFFFFF  }
0x1d: {  	s27 =	simm.s32 $execute0_lowered;
	[smem:$0x3FD2] =	sst s26  }
0x1e: {  	s5 =	sshll.u32 s27, $0x1;
	_ =	strace $0x80000046;
	[dreg:$0x1] =	wrdreg $0xFFFFFFFF  }
0x1f: {  	s28 =	simm.s32 $_size_execute0_lowered;
	s3 =	sadd.s32 s3, s5;
	[dreg:$0x0] =	wrdreg $0x0  }
0x20: {  	s5 =	sshll.u32 s28, $0x1;
	[dreg:$0x2] =	wrdreg s3  }
0x21: {  	[dreg:$0x3] =	wrdreg s5  }
0x22: {  	[dreg:$0x4] =	wrdreg $0xC0  }
0x23: {  	_ =	task [dreg:s7], $0x5FFFF  }
0x24: {  	[dreg:$0x1] =	wrdreg $0xFFFFFFFF  }
0x25: {  	[dreg:$0x0] =	wrdreg $0x60  }
0x26: {  	[dreg:$0x2] =	wrdreg s25  }
0x27: {  	[dreg:$0x3] =	wrdreg s2  }
0x28: {  	[dreg:$0x4] =	wrdreg $0x9  }
0x29: {  	_ =	task.clear_ibuf [dreg:s7], $0x5FFFF;
	_ =	strace $0x90000046  }
0x2a: {  	s29 =	simm.s32 $0x9;
	_ =	strace $0x80000048  }
0x2b: {  	_ =	swait.ge [sflag:s29], $0x1  }
0x2c: {  	[sflag:s29] =	ssyncadd.s32 $0xFFFFFFFF  }
0x2d: {  	_ =	strace $0x90000048  }
0x2e: {  	_ =	sfence  }
0x2f: {  	s30 =	sld [smem:$0x0];
	_ =	sdelay $0x2  }
0x30: {  	s31 =	sshll.u32 s1, $0xD;
	s1 =	sshrl.u32 s1, $0x2  }
0x31: {  	s3 =	sand.u32 $0x4000, s31;
	s1 =	sadd.s32 s1, s30  }
0x32: {  	s0 =	sor.u32 s3, s0;
	s1 =	sshll.u32 s1, $0x11  }
0x33: {  	s0 =	sor.u32 s1, s0  }
0x34: {  	s0 =	sadd.s32 $0x8F2B, s0  }
0x35: {  	[sflag:s0] =	ssyncadd.remote.s32 $0x1  }
0x36: {  	_ =	sfence.sel $0xFFFF  }
0x37: {  	[dreg:$0x0] =	wrdreg $0xFFFFFFFF;
	(pc) =	sbr.abs _section_cstart, $3  }
0x38: {  	[dreg:$0x1] =	wrdreg $0xFFFFFFFF  }
0x39: {  	_ =	task.clear_ibuf [dreg:s7], $0x2FFFF;
	_ =	strace $0x9FFFFFFF  }
0x3a: {  	(tm) =	ssettm $0x7FFFFFFF  }
0x3b: {  	_ =	shalt  }
tec
execute0_lowered:
.L_overlay_start_1:
0x0: {  	(tag) =	ssettag $0x1  }
0x1: {  	s0 =	rddreg [dreg:$0x0];
	s1 =	srdreg.scid  }
0x2: {  	_ =	strace $0x80000047;
	s2 =	stileid.u32;
	s30 =	simm.s32 $0x1  }
0x3: {  	s31 =	simm.s32 $0x2;
	s21 =	simm.s32 $0x0;
	p0 =	por $0x0, $0x0  }
0x4: {  	s19 =	simm.s32 $0x0;
	s20 =	simm.s32 $0x0;
	s22 =	simm.s32 $0x0  }
0x5: {  	s10 =	simm.s32 $0x0;
	s11 =	simm.s32 $0x0;
	s13 =	simm.s32 $0x0  }
0x6: {  	s14 =	simm.s32 $0x0;
	s15 =	simm.s32 $0x0;
	s16 =	simm.s32 $0x0  }
.Ltmp0:
0x7: {  	s12 =	simm.s32 $0x0;
	s1 =	sshll.u32 s1, $0x4;
	(pc) =	sbr.rel .LBB1_1-.Ltmp0, $4  }
0x8: {  	s0 =	sadd.s32 $0x800, s0;
	s8 =	sand.u32 $0x3, s2;
	s29 =	sand.u32 $0x10, s1  }
0x9: {  	[sflag:s30] =	ssyncpa.u1 $0x0;
	[dreg:$0x5] =	wrdreg s0;
	s0 =	sor.u32 s2, s29  }
0xa: {  	[sflag:s31] =	ssyncpa.u1 $0x0;
	[dreg:$0x6] =	wrdreg s8;
	s9 =	sshrl.u32 s0, $0x2  }
0xb: {  	s18 =	smov.u32 s8;
	s17 =	smov.u32 s9;
	[dreg:$0x7] =	wrdreg s9  }
.LBB1_18:
0xc: {  	s13 =	rddreg [dreg:$0xb]  }
0xd: {  	s1 =	rddreg [dreg:$0x1b]  }
0xe: {  	s11 =	rddreg [dreg:$0x9]  }
0xf: {  	s10 =	rddreg [dreg:$0x8]  }
0x10: {  	s5 =	rddreg [dreg:$0x16]  }
0x11: {  	s6 =	rddreg [dreg:$0x17]  }
0x12: {  	s23 =	rddreg [dreg:$0x15]  }
0x13: {  	s14 =	rddreg [dreg:$0xc]  }
0x14: {  	s27 =	rddreg [dreg:$0x1]  }
0x15: {  	s8 =	rddreg [dreg:$0x6]  }
0x16: {  	s9 =	rddreg [dreg:$0x7]  }
0x17: {  	s12 =	rddreg [dreg:$0xa]  }
0x18: {  	s15 =	rddreg [dreg:$0xd]  }
0x19: {  	s16 =	rddreg [dreg:$0xe]  }
0x1a: {  	s17 =	rddreg [dreg:$0xf]  }
0x1b: {  	s18 =	rddreg [dreg:$0x10]  }
0x1c: {  	s19 =	rddreg [dreg:$0x11]  }
0x1d: {  	s31 =	simm.s32 $0xE000;
	s20 =	rddreg [dreg:$0x12];
	s0 =	sshll.u32 s13, $0x8  }
0x1e: {  	s1 =	smul.u32 $0x4080, s1;
	s2 =	sshll.u32 s11, $0x3;
	s3 =	sshll.u32 s13, $0x7  }
0x1f: {  	p1 =	sgt.s32 s11, $0x80;
	s4 =	smov.u32 s11;
	s25 =	smul.u32 $0x150000, s14  }
0x20: {  	s24 =	sand.u32 $0x78, s11;
	s26 =	smul.u32 $0x1C00, s10;
	s28 =	sand.u32 $0x7, s11  }
0x21: {  	s0 =	sand.u32 $0xFFFFF800, s0;
	s2 =	sand.u32 $0xFFFFFC00, s2;
	s21 =	sand.u32 $0x300, s3  }
0x22: {  	s4 =	simm.s32 @!p1 $0x80;
	p1 =	sgt.s32 s10, $0x40;
	s3 =	sand.u32 $0x80, s3  }
0x23: {  	s29 =	sshll.u32 s28, $0x12;
	s0 =	sadd.s32 s0, s2;
	s2 =	smov.u32 s10  }
0x24: {  	s4 =	sadd.s32 s5, s4;
	s3 =	sor.u32 s24, s3;
	s0 =	sor.u32 s21, s0  }
0x25: {  	s1 =	sor.u32 $0x8000, s1;
	s30 =	sor.u32 $0x80, s29;
	s0 =	sshrl.u32 s0, $0x8  }
0x26: {  	s2 =	simm.s32 @!p1 $0x40;
	s5 =	sadd.s32 $0xFFFFFF80, s4;
	s22 =	smulhi.u32 $0x124924A, s0  }
0x27: {  	s4 =	ssub.s32 $0x100, s4;
	s2 =	sadd.s32 s6, s2;
	p1 =	sgt.s32 s5, $0x7F  }
0x28: {  	s6 =	sadd.s32 $0xFFFFFFC0, s2;
	s4 =	simm.s32 @p1 $0x0;
	s5 =	smul.u32 $0xE0, s22  }
0x29: {  	s2 =	ssub.s32 $0xC0, s2;
	p1 =	sgt.s32 s6, $0x7F;
	s4 =	smul.u32 s4, s23  }
0x2a: {  	s2 =	simm.s32 @p1 $0x0;
	s0 =	ssub.s32 s0, s5;
	s5 =	sadd.s32 s27, s25  }
0x2b: {  	s3 =	sshrl.u32 s3, $0x3;
	s2 =	smul.u32 s2, s4;
	s4 =	sadd.s32 s26, s5  }
0x2c: {  	s21 =	rddreg [dreg:$0x13];
	s0 =	sshll.u32 s0, $0x5;
	s3 =	sadd.s32 s3, s4  }
0x2d: {  	s22 =	rddreg [dreg:$0x14];
	s2 =	sand.u32 $0x3FFFFFFF, s2;
	s0 =	sadd.s32 s0, s3  }
0x2e: {  	[hbm4b:s0+s30] =	stream.strided.scatter [tilespmem:s1], [sflag:$0x2], s2, s31, s30, $0x20;
	[tilespmem:$0x10100] =	vst v63  }
.LBB1_19:
0x2f: {  	p1 =	slt.u32 s12, $0x2;
	s0 =	smov.u32 s22  }
0x30: {  	s2 =	smov.u32 s21;
	s12 =	sadd.s32 $0x1, s12;
	p0 =	por !p0, !p0  }
0x31: {  	p2 =	sgt.s32 @!p1 s22, $0x3;
	s1 =	sshra.s32 @!p1 s22, $0x1F;
	s3 =	sshra.s32 @!p1 s21, $0x1F  }
0x32: {  	s4 =	sshra.s32 @!p1 s19, $0x1F;
	p2 =	por !p2, p1;
	s1 =	sand.u32 @!p1 s1, s22  }
0x33: {  	s4 =	sand.u32 @!p1 s4, s19;
	s0 =	simm.s32 @p2 $0x3;
	p2 =	sgt.s32 @!p1 s21, $0x40  }
0x34: {  	s22 =	smov.u32 s14;
	s0 =	ssub.s32 @!p1 s0, s1;
	p2 =	por !p2, p1  }
0x35: {  	s1 =	sadd.s32 @!p1 $0xFFFFFFFD, s0;
	s2 =	simm.s32 @p2 $0x40;
	s0 =	ssub.s32 @!p1 $0x4, s0  }
0x36: {  	p3 =	sgt.s32 @!p1 s1, $0x0;
	s1 =	sand.u32 @!p1 s3, s21;
	s3 =	sshra.s32 @!p1 s20, $0x1F  }
0x37: {  	p2 =	por !p3, p1;
	s1 =	ssub.s32 @!p1 s2, s1;
	p3 =	sgt.s32 @!p1 s20, $0xDF  }
0x38: {  	s3 =	sand.u32 @!p1 s3, s20;
	s0 =	simm.s32 @!p2 $0x0;
	s2 =	sadd.s32 @!p1 $0xFFFFFFC0, s1  }
0x39: {  	p3 =	por !p3, p1;
	p2 =	sgt.s32 @!p1 s2, $0x7F;
	s2 =	smov.u32 s20  }
0x3a: {  	s1 =	ssub.s32 @!p1 $0xC0, s1;
	s2 =	simm.s32 @p3 $0xDF;
	p3 =	sgt.s32 @!p1 s19, $0x80  }
0x3b: {  	s2 =	ssub.s32 @!p1 s2, s3;
	p3 =	por !p3, p1;
	s3 =	smov.u32 s19  }
0x3c: {  	p2 =	por !p2, p1;
	s5 =	sadd.s32 @!p1 $0xFFFFFF21, s2;
	s3 =	simm.s32 @p3 $0x80  }
0x3d: {  	s2 =	ssub.s32 @!p1 $0xE0, s2;
	p3 =	sgt.s32 @!p1 s5, $0x0;
	s3 =	ssub.s32 @!p1 s3, s4  }
0x3e: {  	s5 =	smov.u32 s16;
	p3 =	por !p3, p1;
	s4 =	sadd.s32 @!p1 $0xFFFFFF80, s3  }
0x3f: {  	s3 =	ssub.s32 @!p1 $0x100, s3;
	s2 =	simm.s32 @!p3 $0x0;
	p3 =	sgt.s32 @!p1 s4, $0x7F  }
0x40: {  	p3 =	por !p3, p1;
	s0 =	smul.u32 @!p1 s0, s2;
	s2 =	sadd.s32 $0x80, s15  }
0x41: {  	s4 =	sadd.s32 $0x80, s16;
	s3 =	simm.s32 @!p3 $0x0;
	p3 =	sgt.s32 s2, $0xBF  }
0x42: {  	s1 =	simm.s32 @!p2 $0x0;
	s0 =	smul.u32 @!p1 s3, s0;
	s5 =	smov.u32 @p3 s4  }
0x43: {  	s3 =	sadd.s32 $0x8, s17;
	s4 =	smov.u32 s17;
	p2 =	sgt.s32 s5, $0xDF  }
0x44: {  	s2 =	simm.s32 @p3 $0x0;
	s0 =	smul.u32 @!p1 s1, s0;
	s4 =	smov.u32 @p2 s3  }
0x45: {  	s1 =	sadd.s32 $0x4, s18;
	s3 =	smov.u32 s18;
	p3 =	sgt.s32 s4, $0xDF  }
0x46: {  	s14 =	smov.u32 s18;
	s21 =	smov.u32 s10;
	s3 =	smov.u32 @p3 s1  }
0x47: {  	s10 =	smov.u32 s15;
	s5 =	simm.s32 @p2 $0x0;
	p2 =	sgt.s32 s3, $0x3  }
0x48: {  	s20 =	smov.u32 s13;
	s3 =	smov.u32 @p2 s8;
	p2 =	sne.s32 s12, $0x72  }
.Ltmp1:
0x49: {  	s13 =	smov.u32 s17;
	s19 =	smov.u32 s11;
	(pc) =	sbr.rel @!p2 .LBB1_20-.Ltmp1, $4  }
0x4a: {  	s11 =	smov.u32 s16;
	s0 =	sand.u32 @!p1 $0x3FFFFFFF, s0;
	s1 =	simm.s32 @!p1 $0x2  }
0x4b: {  	s15 =	smov.u32 s2;
	s16 =	smov.u32 s5;
	_ =	swait.ge @!p1 [sflag:s1], s0  }
0x4c: {  	s4 =	smov.u32 @p3 s9;
	s0 =	ssub.s32 @!p1 $0x0, s0;
	[sflag:s1] =	ssyncset.done @!p1 $0x0  }
0x4d: {  	s17 =	smov.u32 s4;
	[sflag:s1] =	ssyncadd.s32 @!p1 s0;
	s18 =	smov.u32 s3  }
.LBB1_1:
0x4e: {  	p1 =	sgt.u32 s12, $0x6F  }
.Ltmp2:
0x4f: {  	_ = 	snop;
	(pc) =	sbr.rel @p1 .LBB1_3-.Ltmp2, $1  }
0x50: {  	_ =	sdelay $0x3  }
0x51: {  	s0 =	sand.u32 $0x78, s15;
	s1 =	sshll.u32 s16, $0x8;
	s2 =	sshll.u32 s15, $0x3  }
0x52: {  	s3 =	sshll.u32 s16, $0x7;
	p1 =	sgt.s32 s18, $0x3;
	s26 =	sshra.s32 s18, $0x1F  }
0x53: {  	s4 =	smov.u32 s17;
	s5 =	sshra.s32 s17, $0x1F;
	s29 =	sshra.s32 s16, $0x1F  }
0x54: {  	s31 =	sshra.s32 s15, $0x1F;
	s24 =	smul.u32 $0x188000, s18;
	s1 =	sand.u32 $0xFFFFF800, s1  }
0x55: {  	s2 =	sand.u32 $0xFFFFFC00, s2;
	s25 =	sand.u32 $0x300, s3;
	s3 =	sand.u32 $0x80, s3  }
0x56: {  	s27 =	sand.u32 s5, s17;
	s30 =	sand.u32 s29, s16;
	s1 =	sadd.s32 s1, s2  }
0x57: {  	s0 =	sor.u32 s0, s3;
	s2 =	smov.u32 s18;
	s3 =	sand.u32 s26, s18  }
0x58: {  	s1 =	sor.u32 s25, s1;
	s2 =	simm.s32 @!p1 $0x3;
	p1 =	sgt.s32 s17, $0xDF  }
0x59: {  	s25 =	smul.u32 $0x1C00, s17;
	s0 =	sshrl.u32 s0, $0x3;
	s1 =	sshrl.u32 s1, $0x8  }
0x5a: {  	s2 =	ssub.s32 s2, s3;
	s4 =	simm.s32 @!p1 $0xDF;
	s28 =	smulhi.u32 $0x124924A, s1  }
0x5b: {  	s6 =	sadd.s32 $0xFFFFFFFD, s2;
	s3 =	ssub.s32 s4, s27;
	s2 =	ssub.s32 $0x4, s2  }
0x5c: {  	s27 =	rddreg [dreg:$0x5];
	p1 =	sgt.s32 s6, $0x0;
	s4 =	sadd.s32 $0xFFFFFF21, s3  }
0x5d: {  	s3 =	ssub.s32 $0xE0, s3;
	s6 =	sand.u32 s31, s15;
	s31 =	simm.s32 $0x800  }
0x5e: {  	s2 =	simm.s32 @p1 $0x0;
	p1 =	sgt.s32 s4, $0x0;
	s4 =	smov.u32 s16  }
0x5f: {  	s5 =	smul.u32 $0xE0, s28;
	s3 =	simm.s32 @p1 $0x0;
	p1 =	sgt.s32 s16, $0x60  }
0x60: {  	s28 =	sand.u32 $0x7, s15;
	s2 =	smul.u32 s2, s3;
	s4 =	simm.s32 @!p1 $0x60  }
0x61: {  	p1 =	sgt.s32 s15, $0x80;
	s3 =	ssub.s32 s4, s30;
	s4 =	smov.u32 s15  }
0x62: {  	s29 =	sshll.u32 s28, $0x12;
	s7 =	sadd.s32 $0xFFFFFFA0, s3;
	s4 =	simm.s32 @!p1 $0x80  }
0x63: {  	s3 =	ssub.s32 $0xE0, s3;
	p1 =	sgt.s32 s7, $0x7F;
	s4 =	ssub.s32 s4, s6  }
0x64: {  	s1 =	ssub.s32 s1, s5;
	s3 =	simm.s32 @p1 $0x0;
	s23 =	sadd.s32 $0xFFFFFF80, s4  }
0x65: {  	s2 =	smul.u32 s3, s2;
	p1 =	sgt.s32 s23, $0x7F;
	s3 =	ssub.s32 $0x100, s4  }
0x66: {  	s1 =	sshll.u32 s1, $0x5;
	s4 =	sadd.s32 s27, s24;
	s3 =	simm.s32 @p1 $0x0  }
0x67: {  	s7 =	sxor.u32 $0xFFFFFFFF, s12;
	s4 =	sadd.s32 s25, s4;
	s2 =	smul.u32 s3, s2  }
0x68: {  	s30 =	sor.u32 $0x400, s29;
	s6 =	sshll.u32 s7, $0xE;
	s0 =	sadd.s32 s0, s4  }
0x69: {  	s26 =	sand.u32 $0x4000, s6;
	s0 =	sadd.s32 s1, s0;
	s2 =	sand.u32 $0x3FFFFFFF, s2  }
0x6a: {  	[tilespmem:s26], [sflag:$0x1] =	stream.strided.gather [hbm4b:s0+s30], s2, s31, s30, $0x38;
	[tilespmem:$0x10100] =	vst v63  }
.LBB1_3:
0x6b: {  	p1 =	seq.s32 s12, $0x0  }
0x6c: {  	p2 =	seq.s32 @!p1 s12, $0x71  }
0x6d: {  	p1 =	por p1, p2  }
.Ltmp3:
0x6e: {  	_ = 	snop;
	(pc) =	sbr.rel @p1 .LBB1_19-.Ltmp3, $1  }
0x6f: {  	_ =	sdelay $0x3  }
0x70: {  	[dreg:$0x14] =	wrdreg s22  }
0x71: {  	[dreg:$0x13] =	wrdreg s21  }
0x72: {  	[dreg:$0x12] =	wrdreg s20  }
0x73: {  	[dreg:$0x11] =	wrdreg s19  }
0x74: {  	[dreg:$0x10] =	wrdreg s18  }
0x75: {  	[dreg:$0xf] =	wrdreg s17  }
0x76: {  	[dreg:$0xe] =	wrdreg s16;
	p1 =	sgt.s32 s14, $0x3;
	s0 =	smov.u32 s14  }
0x77: {  	s1 =	sshra.s32 s14, $0x1F;
	s2 =	sshra.s32 s13, $0x1F;
	s22 =	ssub.s32 $0x0, s11  }
0x78: {  	s23 =	sshra.s32 s11, $0x1F;
	p2 =	sgt.s32 s11, $0x60;
	s4 =	smov.u32 s11  }
0x79: {  	s26 =	ssub.s32 $0x0, s10;
	s27 =	sshra.s32 s10, $0x1F;
	s0 =	simm.s32 @!p1 $0x3  }
0x7a: {  	s1 =	sand.u32 s1, s14;
	p1 =	sgt.s32 s13, $0xDF;
	s2 =	sand.u32 s2, s13  }
0x7b: {  	s4 =	simm.s32 @!p2 $0x60;
	s0 =	ssub.s32 s0, s1;
	s1 =	smov.u32 s13  }
0x7c: {  	s3 =	sadd.s32 $0xFFFFFFFD, s0;
	s1 =	simm.s32 @!p1 $0xDF;
	s0 =	ssub.s32 $0x4, s0  }
0x7d: {  	p1 =	sgt.s32 s3, $0x0;
	s1 =	ssub.s32 s1, s2;
	s2 =	sand.u32 s22, s23  }
0x7e: {  	s3 =	smov.u32 s10;
	s5 =	sadd.s32 $0xFFFFFF21, s1;
	s1 =	ssub.s32 $0xE0, s1  }
0x7f: {  	[dreg:$0x16] =	wrdreg s2;
	s2 =	sadd.s32 s2, s4;
	s0 =	simm.s32 @p1 $0x0  }
0x80: {  	p2 =	sgt.s32 s5, $0x0;
	s24 =	sadd.s32 $0xFFFFFFA0, s2;
	s2 =	ssub.s32 $0xE0, s2  }
0x81: {  	s1 =	simm.s32 @p2 $0x0;
	p1 =	sgt.s32 s24, $0x7F;
	p2 =	sgt.s32 s10, $0x80  }
0x82: {  	s25 =	smul.u32 s0, s1;
	s0 =	sand.u32 s26, s27;
	s3 =	simm.s32 @!p2 $0x80  }
0x83: {  	s2 =	simm.s32 @p1 $0x0;
	[dreg:$0x17] =	wrdreg s0;
	s0 =	sadd.s32 s0, s3  }
0x84: {  	[dreg:$0xd] =	wrdreg s15;
	s28 =	smul.u32 s2, s25;
	s29 =	sadd.s32 $0xFFFFFF80, s0  }
0x85: {  	s0 =	ssub.s32 $0x100, s0;
	s2 =	sadd.s32 $0x1, s14;
	p1 =	sgt.s32 s29, $0x7F  }
0x86: {  	s3 =	sadd.s32 $0x1, s13;
	s0 =	simm.s32 @p1 $0x0;
	p1 =	slt.s32 s2, $0x4  }
0x87: {  	[dreg:$0x8] =	wrdreg s10;
	s2 =	simm.s32 @!p1 $0x4;
	p1 =	slt.s32 s3, $0xE0  }
0x88: {  	s1 =	sadd.s32 $0x80, s11;
	s2 =	ssub.s32 s2, s14;
	s3 =	simm.s32 @!p1 $0xE0  }
0x89: {  	p2 =	slt.s32 s1, $0xE0;
	s3 =	ssub.s32 s3, s13;
	p1 =	slt.s32 s2, $0x1  }
0x8a: {  	[dreg:$0xc] =	wrdreg s14;
	s1 =	simm.s32 @!p2 $0xE0;
	p2 =	slt.s32 @!p1 s3, $0x1  }
0x8b: {  	[dreg:$0xb] =	wrdreg s13;
	s6 =	ssub.s32 s1, s11;
	p2 =	por p1, p2  }
0x8c: {  	[dreg:$0x9] =	wrdreg s11;
	p3 =	slt.s32 @!p2 s6, $0x1  }
0x8d: {  	[dreg:$0x15] =	wrdreg s25;
	s0 =	smul.u32 s0, s28;
	p2 =	por p2, p3  }
.Ltmp4:
0x8e: {  	[dreg:$0x18] =	wrdreg s2;
	(pc) =	sbr.rel @p2 .LBB1_18-.Ltmp4, $4  }
0x8f: {  	s30 =	simm.s32 $0x1;
	s0 =	sand.u32 $0x3FFFFFFF, s0;
	[dreg:$0x19] =	wrdreg s3  }
0x90: {  	s31 =	sand.u32 $0x1, s12;
	_ =	swait.ge [sflag:s30], s0  }
0x91: {  	s0 =	ssub.s32 $0x0, s0;
	[dreg:$0xa] =	wrdreg s12;
	[sflag:s30] =	ssyncset.done $0x0  }
0x92: {  	[dreg:$0x1b] =	wrdreg s31;
	[sflag:s30] =	ssyncadd.s32 s0  }
0x93: {  	s0 =	simm.s32 $0x1  }
0x94: {  	s0 =	simm.s32 @!p0 $0x0  }
0x95: {  	s0 =	smul.u32 $0x10200, s0  }
0x96: {  	s3 =	rddreg [dreg:$0x8]  }
0x97: {  	s31 =	simm.s32 $0x0;
	[dreg:$0x1a] =	wrdreg s6;
	s1 =	sshrl.u32 s0, $0x2  }
0x98: {  	[smem:$0x7FC] =	sst s31;
	s4 =	sadd.s32 $0xF8F0, s1  }
0x99: {  	s15 =	sadd.s32 $0xF0E0, s1;
	[dreg:$0x1c] =	wrdreg s4  }
0x9a: {  	s16 =	sadd.s32 $0xE8D0, s1;
	[dreg:$0x1d] =	wrdreg s15  }
0x9b: {  	s17 =	sadd.s32 $0xE0C0, s1;
	[dreg:$0x1e] =	wrdreg s16  }
0x9c: {  	s18 =	sadd.s32 $0xD8B0, s1;
	[dreg:$0x1f] =	wrdreg s17  }
0x9d: {  	s19 =	sadd.s32 $0xD0A0, s1;
	[smem:$0x7ED] =	sst s18  }
0x9e: {  	s20 =	sadd.s32 $0xC890, s1;
	[smem:$0x7EE] =	sst s19  }
0x9f: {  	s21 =	sadd.s32 $0xC080, s1;
	[smem:$0x7EF] =	sst s20  }
0xa0: {  	s22 =	sadd.s32 $0xB870, s1;
	[smem:$0x7F0] =	sst s21  }
0xa1: {  	s24 =	sadd.s32 $0xB060, s1;
	[smem:$0x7F1] =	sst s22  }
0xa2: {  	s25 =	sadd.s32 $0xA850, s1;
	[smem:$0x7F2] =	sst s24  }
0xa3: {  	s2 =	sadd.s32 $0x80, s3;
	s5 =	sadd.s32 $0xA040, s1;
	[smem:$0x7F3] =	sst s25  }
0xa4: {  	p2 =	slt.s32 s2, $0xC0;
	s27 =	sadd.s32 $0x9830, s1;
	[smem:$0x7F4] =	sst s5  }
0xa5: {  	s2 =	simm.s32 @!p2 $0xC0;
	s28 =	sadd.s32 $0x9020, s1;
	[smem:$0x7F5] =	sst s27  }
0xa6: {  	s2 =	ssub.s32 s2, s3;
	s29 =	sadd.s32 $0x8810, s1;
	[smem:$0x7F6] =	sst s28  }
0xa7: {  	s2 =	sadd.s32 $0xF, s2;
	s1 =	sor.u32 $0x8000, s1;
	[smem:$0x7F7] =	sst s29  }
0xa8: {  	s23 =	sshrl.u32 s2, $0x8;
	[smem:$0x7F8] =	sst s1  }
0xa9: {  	s7 =	sand.u32 $0xFFFFFFF0, s2;
	s1 =	rddreg [dreg:$0x1b];
	s26 =	smul.u32 $0x20400, s23  }
.Ltmp5:
0xaa: {  	s12 =	sand.u32 @!p1 $0xFFFFFF00, s2;
	[smem:$0x7FD] =	sst s7;
	(pc) =	sbr.rel .LBB1_6-.Ltmp5, $4  }
0xab: {  	s1 =	sshll.u32 @!p1 s1, $0xE;
	[dreg:$0x4] =	wrdreg s12;
	s0 =	sadd.s32 s0, s26  }
0xac: {  	s30 =	sshll.u32 s23, $0xB;
	[smem:$0x7F9] =	sst s1;
	s0 =	sshra.s32 s0, $0x2  }
0xad: {  	[smem:$0x7FB] =	sst s30;
	s0 =	sadd.s32 $0x8000, s0  }
0xae: {  	p1 =	slt.s32 s2, $0x100;
	p2 =	sge.s32 s12, s7;
	[smem:$0x7FA] =	sst s0  }
.LBB1_17:
0xaf: {  	s1 =	sld [smem:$0x7FC]  }
0xb0: {  	s0 =	rddreg [dreg:$0x1c]  }
0xb1: {  	s15 =	rddreg [dreg:$0x1d]  }
0xb2: {  	s16 =	rddreg [dreg:$0x1e]  }
0xb3: {  	s17 =	rddreg [dreg:$0x1f]  }
0xb4: {  	s18 =	sld [smem:$0x7ED]  }
0xb5: {  	s19 =	sld [smem:$0x7EE]  }
0xb6: {  	s20 =	sld [smem:$0x7EF]  }
0xb7: {  	s21 =	sld [smem:$0x7F0]  }
0xb8: {  	s22 =	sld [smem:$0x7F1]  }
0xb9: {  	s23 =	sld [smem:$0x7F2]  }
0xba: {  	s24 =	sld [smem:$0x7F3]  }
0xbb: {  	s25 =	sld [smem:$0x7F4]  }
0xbc: {  	s26 =	sld [smem:$0x7F5]  }
0xbd: {  	s27 =	sld [smem:$0x7F6]  }
0xbe: {  	s28 =	rddreg [dreg:$0x18]  }
0xbf: {  	s29 =	sld [smem:$0x7F7]  }
0xc0: {  	s30 =	sld [smem:$0x7F8]  }
0xc1: {  	s31 =	sld [smem:$0x7FA];
	s0 =	sadd.s32 $0x4080, s0  }
0xc2: {  	[dreg:$0x1c] =	wrdreg s0;
	s0 =	sadd.s32 $0x4080, s15  }
0xc3: {  	[dreg:$0x1d] =	wrdreg s0;
	s0 =	sadd.s32 $0x4080, s16  }
0xc4: {  	s1 =	sadd.s32 $0x1, s1;
	[dreg:$0x1e] =	wrdreg s0  }
0xc5: {  	s0 =	sadd.s32 $0x4080, s17;
	[smem:$0x7FC] =	sst s1  }
0xc6: {  	[dreg:$0x1f] =	wrdreg s0;
	s0 =	sadd.s32 $0x4080, s18  }
0xc7: {  	[smem:$0x7ED] =	sst s0;
	s0 =	sadd.s32 $0x4080, s19  }
0xc8: {  	[smem:$0x7EE] =	sst s0;
	s0 =	sadd.s32 $0x4080, s20  }
0xc9: {  	[smem:$0x7EF] =	sst s0;
	s0 =	sadd.s32 $0x4080, s21  }
0xca: {  	[smem:$0x7F0] =	sst s0;
	s0 =	sadd.s32 $0x4080, s22  }
0xcb: {  	[smem:$0x7F1] =	sst s0;
	s0 =	sadd.s32 $0x4080, s23  }
0xcc: {  	[smem:$0x7F2] =	sst s0;
	s0 =	sadd.s32 $0x4080, s24  }
0xcd: {  	[smem:$0x7F3] =	sst s0;
	s0 =	sadd.s32 $0x4080, s25  }
0xce: {  	p3 =	sne.s32 s1, s28;
	[smem:$0x7F4] =	sst s0;
	s0 =	sadd.s32 $0x4080, s26  }
.Ltmp6:
0xcf: {  	[smem:$0x7F5] =	sst s0;
	s0 =	sadd.s32 $0x4080, s27;
	(pc) =	sbr.rel @!p3 .LBB1_18-.Ltmp6, $4  }
0xd0: {  	[smem:$0x7F6] =	sst s0;
	s0 =	sadd.s32 $0x4080, s29  }
0xd1: {  	[smem:$0x7F7] =	sst s0;
	s0 =	sadd.s32 $0x4080, s30  }
0xd2: {  	[smem:$0x7F8] =	sst s0;
	s0 =	sadd.s32 $0x4080, s31  }
0xd3: {  	[smem:$0x7FA] =	sst s0  }
.LBB1_6:
.Ltmp7:
0xd4: {  	(pc) =	sbr.rel .LBB1_7-.Ltmp7, $2  }
0xd5: {  	_ =	sdelay $0x2  }
0xd6: {  	s0 =	simm.s32 $0x0;
	s2 =	simm.s32 $0x0  }
.LBB1_16:
0xd7: {  	s2 =	sld [smem:$0x7E5];
	_ =	sdelay $0x2  }
0xd8: {  	s0 =	rddreg [dreg:$0x19];
	s2 =	sadd.s32 $0x1, s2  }
0xd9: {  	p3 =	sne.s32 s2, s0  }
.Ltmp8:
0xda: {  	_ = 	snop;
	(pc) =	sbr.rel @!p3 .LBB1_17-.Ltmp8, $2  }
0xdb: {  	s31 =	sld [smem:$0x7D9];
	_ =	sdelay $0x2  }
0xdc: {  	s0 =	sadd.s32 $0x1, s31  }
.LBB1_7:
0xdd: {  	[smem:$0x7D9] =	sst s0  }
0xde: {  	s1 =	rddreg [dreg:$0x1c]  }
0xdf: {  	s14 =	rddreg [dreg:$0x1d]  }
0xe0: {  	s15 =	rddreg [dreg:$0x1e]  }
0xe1: {  	s16 =	rddreg [dreg:$0x1f]  }
0xe2: {  	s17 =	sld [smem:$0x7ED]  }
0xe3: {  	s18 =	sld [smem:$0x7EE]  }
0xe4: {  	s19 =	sld [smem:$0x7EF]  }
0xe5: {  	s20 =	sld [smem:$0x7F0]  }
0xe6: {  	s21 =	sld [smem:$0x7F1]  }
0xe7: {  	s22 =	sld [smem:$0x7F2]  }
0xe8: {  	s23 =	sld [smem:$0x7F3]  }
0xe9: {  	s24 =	sld [smem:$0x7FC]  }
0xea: {  	[smem:$0x7E5] =	sst s2  }
0xeb: {  	s25 =	sld [smem:$0x7F4]  }
0xec: {  	s26 =	sld [smem:$0x7F5]  }
0xed: {  	s13 =	sand.u32 $0x7, s0;
	s27 =	sld [smem:$0x7F6]  }
0xee: {  	s28 =	sld [smem:$0x7F7];
	s0 =	smul.u32 $0x204, s13  }
0xef: {  	s29 =	sld [smem:$0x7F8]  }
0xf0: {  	s30 =	sld [smem:$0x7F9];
	s0 =	sshrl.u32 s0, $0x2  }
0xf1: {  	s31 =	sld [smem:$0x7FA];
	s1 =	sadd.s32 s0, s1  }
0xf2: {  	[smem:$0x7DA] =	sst s1;
	s1 =	sadd.s32 s0, s14  }
0xf3: {  	[smem:$0x7DB] =	sst s1;
	s1 =	sadd.s32 s0, s15  }
0xf4: {  	[smem:$0x7DC] =	sst s1;
	s1 =	sadd.s32 s0, s16  }
0xf5: {  	[smem:$0x7DD] =	sst s1;
	s1 =	sadd.s32 s0, s17  }
0xf6: {  	[smem:$0x7DE] =	sst s1;
	s1 =	sadd.s32 s0, s18  }
0xf7: {  	[smem:$0x7DF] =	sst s1;
	s1 =	sadd.s32 s0, s19  }
0xf8: {  	[smem:$0x7E0] =	sst s1;
	s1 =	sadd.s32 s0, s20  }
0xf9: {  	[smem:$0x7E1] =	sst s1;
	s1 =	sadd.s32 s0, s21  }
0xfa: {  	[smem:$0x7E2] =	sst s1;
	s1 =	sadd.s32 s0, s22  }
0xfb: {  	[smem:$0x7E3] =	sst s1;
	s1 =	sadd.s32 s0, s23  }
0xfc: {  	[smem:$0x7E4] =	sst s1;
	s1 =	sadd.s32 s24, s2;
	s2 =	sadd.s32 s0, s25  }
0xfd: {  	[smem:$0x7E6] =	sst s2;
	s2 =	sadd.s32 s0, s26;
	s1 =	sshll.u32 s1, $0x10  }
0xfe: {  	[smem:$0x7E7] =	sst s2;
	s2 =	sadd.s32 s0, s27;
	s1 =	sshra.s32 s1, $0x2  }
.Ltmp9:
0xff: {  	[smem:$0x7E8] =	sst s2;
	s2 =	sadd.s32 s0, s28;
	(pc) =	sbr.rel .LBB1_8-.Ltmp9, $4  }
0x100: {  	s8 =	sadd.s32 s1, s30;
	[smem:$0x7E9] =	sst s2  }
0x101: {  	s2 =	sadd.s32 s0, s29;
	[smem:$0x7EC] =	sst s8  }
0x102: {  	s9 =	simm.s32 $0x0;
	s0 =	sadd.s32 s0, s31;
	[smem:$0x7EA] =	sst s2  }
0x103: {  	s10 =	simm.s32 $0x0;
	s11 =	simm.s32 $0x0;
	[smem:$0x7EB] =	sst s0  }
.LBB1_15:
0x104: {  	s11 =	sadd.s32 $0x1, s11  }
0x105: {  	p3 =	sne.s32 s11, s6  }
.Ltmp10:
0x106: {  	_ = 	snop;
	(pc) =	sbr.rel @!p3 .LBB1_16-.Ltmp10, $2  }
0x107: {  	_ =	sdelay $0x2  }
0x108: {  	s10 =	sadd.s32 $0x80, s10;
	s9 =	sadd.s32 $0x1, s9  }
.LBB1_8:
.Ltmp11:
0x109: {  	(pc) =	sbr.rel @p1 .LBB1_12-.Ltmp11, $2  }
0x10a: {  	_ =	sdelay $0x2  }
0x10b: {  	s2 =	sand.u32 $0x7F, s9;
	s23 =	sshll.u32 s11, $0x7  }
0x10c: {  	s0 =	sand.u32 $0x380, s23  }
0x10d: {  	s21 =	sadd.s32 s0, s8  }
0x10e: {  	v0 =	vmov s21  }
0x10f: {  	s26 =	simm.s32 $0x700  }
0x110: {  	[smem:$0x7D8] =	sst s2;
	s1 =	sshll.u32 s2, $0x2;
	s2 =	sand.u32 $0x3C00, s26  }
0x111: {  	[smem:$0x7D6] =	sst s11;
	s2 =	sadd.s32 s23, s2  }
0x112: {  	[smem:$0x7D7] =	sst s9;
	s2 =	sand.u32 $0x3C00, s2  }
0x113: {  	v1 =	vld.idx.msk [tilespmem:v0+s2+$0x60 ss:$0x1], $0xffff  }
0x114: {  	s25 =	simm.s32 $0x480;
	s17 =	sld [smem:$0x7DB]  }
0x115: {  	s24 =	sshrl.u32 s1, $0x2;
	s1 =	sand.u32 $0x3C00, s25  }
0x116: {  	s1 =	sadd.s32 s23, s1  }
0x117: {  	s1 =	sand.u32 $0x3C00, s1;
	s9 =	sadd.s32 s24, s17  }
0x118: {  	v2 =	vld.idx.msk [tilespmem:v0+s1+$0x10 ss:$0x1], $0xffff;
	[tilespmem:s9+$0x0 ss:$0x81] =	vst.msk $0xffff, v1  }
0x119: {  	s3 =	simm.s32 $0x500;
	s26 =	sld [smem:$0x7E0]  }
0x11a: {  	s3 =	sand.u32 $0x3C00, s3  }
0x11b: {  	s3 =	sadd.s32 s23, s3  }
0x11c: {  	s2 =	sand.u32 $0x3C00, s3;
	s11 =	sadd.s32 s24, s26  }
0x11d: {  	s4 =	simm.s32 $0x580;
	v3 =	vld.idx.msk [tilespmem:v0+s2+$0x20 ss:$0x1], $0xffff;
	[tilespmem:s11+$0x0 ss:$0x81] =	vst.msk $0xffff, v2  }
0x11e: {  	s5 =	simm.s32 $0x600;
	s7 =	simm.s32 $0x680;
	s25 =	sld [smem:$0x7DF]  }
0x11f: {  	p3 =	sgt.s32 s12, $0x100;
	s4 =	sand.u32 $0x3C00, s4;
	s5 =	sand.u32 $0x3C00, s5  }
0x120: {  	s6 =	sand.u32 $0x3C00, s7;
	s7 =	sadd.s32 $0x780, s10;
	s4 =	sadd.s32 s23, s4  }
0x121: {  	s8 =	sadd.s32 $0xFFFFF880, s7;
	s4 =	sand.u32 $0x3C00, s4;
	s12 =	sadd.s32 s24, s25  }
0x122: {  	s3 =	sadd.s32 s23, s5;
	v4 =	vld.idx.msk [tilespmem:v0+s4+$0x30 ss:$0x1], $0xffff;
	s5 =	sand.u32 $0x3C00, s8;
	[tilespmem:s12+$0x0 ss:$0x81] =	vst.msk $0xffff, v3  }
0x123: {  	v7 =	vld.idx.msk [tilespmem:v0+s5+$0x0 ss:$0x1], $0xffff;
	s11 =	sld [smem:$0x7DE]  }
0x124: {  	s1 =	sadd.s32 s23, s6;
	s3 =	sand.u32 $0x3C00, s3;
	v8 =	vld.idx.msk [tilespmem:v0+s5+$0x10 ss:$0x1], $0xffff  }
0x125: {  	s1 =	sand.u32 $0x3C00, s1;
	v5 =	vld.idx.msk [tilespmem:v0+s3+$0x40 ss:$0x1], $0xffff  }
0x126: {  	v6 =	vld.idx.msk [tilespmem:v0+s1+$0x50 ss:$0x1], $0xffff;
	s14 =	sadd.s32 s24, s11  }
0x127: {  	v1 =	vld.idx.msk [tilespmem:v0+s5+$0x20 ss:$0x1], $0xffff;
	[tilespmem:s14+$0x0 ss:$0x81] =	vst.msk $0xffff, v4  }
0x128: {  	v2 =	vld.idx.msk [tilespmem:v0+s5+$0x30 ss:$0x1], $0xffff;
	[dreg:$0x3] =	wrdreg s10  }
0x129: {  	s10 =	sld [smem:$0x7DD];
	_ =	sdelay $0x2  }
0x12a: {  	s1 =	sld [smem:$0x7EA];
	s15 =	sadd.s32 s24, s10  }
0x12b: {  	s8 =	sld [smem:$0x7E9];
	[tilespmem:s15+$0x0 ss:$0x81] =	vst.msk $0xffff, v5  }
0x12c: {  	s15 =	sld [smem:$0x7DC]  }
0x12d: {  	s19 =	sld [smem:$0x7E8]  }
0x12e: {  	s2 =	sadd.s32 $0xFFFFFC80, s7;
	s1 =	sadd.s32 s24, s1;
	s7 =	sld [smem:$0x7E7]  }
0x12f: {  	s22 =	simm.s32 $0x780;
	s6 =	sld [smem:$0x7E6];
	[tilespmem:s1+$0x0 ss:$0x81] =	vst.msk $0xffff, v7;
	s20 =	sadd.s32 s24, s15  }
0x130: {  	s13 =	simm.s32 $0x100;
	s0 =	sand.u32 $0x3C00, s22;
	[tilespmem:s20+$0x0 ss:$0x81] =	vst.msk $0xffff, v6  }
0x131: {  	s0 =	sadd.s32 s23, s0;
	s21 =	sand.u32 $0x3C00, s2;
	s31 =	sld [smem:$0x7E4]  }
0x132: {  	s9 =	sand.u32 $0x3C00, s0;
	s16 =	sadd.s32 s24, s8;
	s30 =	sld [smem:$0x7E3]  }
0x133: {  	s12 =	simm.s32 $0xF80;
	s18 =	sadd.s32 s24, s19;
	s29 =	sld [smem:$0x7E2];
	[tilespmem:s16+$0x0 ss:$0x81] =	vst.msk $0xffff, v8  }
.Ltmp12:
0x134: {  	s22 =	sadd.s32 s24, s7;
	s20 =	sld [smem:$0x7E1];
	(pc) =	sbr.rel @!p3 .LBB1_11-.Ltmp12, $4  }
0x135: {  	v3 =	vld.idx.msk [tilespmem:v0+s5+$0x40 ss:$0x1], $0xffff;
	s14 =	sadd.s32 s24, s6;
	s0 =	smov.u32 s6;
	s16 =	sld [smem:$0x7DA]  }
0x136: {  	v4 =	vld.idx.msk [tilespmem:v0+s5+$0x50 ss:$0x1], $0xffff;
	s1 =	smov.u32 s7;
	s2 =	smov.u32 s19;
	s7 =	smov.u32 s8  }
0x137: {  	v5 =	vld.idx.msk [tilespmem:v0+s5+$0x60 ss:$0x1], $0xffff;
	s8 =	sld [smem:$0x7EA];
	s4 =	sadd.s32 s24, s31;
	s28 =	sadd.s32 s24, s30  }
0x138: {  	v6 =	vld.idx.msk [tilespmem:v0+s5+$0x70 ss:$0x1], $0xffff;
	s3 =	sadd.s32 s24, s29;
	s27 =	sadd.s32 s24, s20;
	s5 =	sadd.s32 s24, s16  }
.LBB1_10:
0x139: {  	s19 =	sadd.s32 $0xFFFFFD00, s12  }
0x13a: {  	s6 =	sadd.s32 $0xFFFFFF80, s12;
	s13 =	sadd.s32 $0x100, s13;
	s17 =	sadd.s32 $0x8100, s17  }
0x13b: {  	s16 =	sadd.s32 $0x8100, s16;
	s15 =	sadd.s32 $0x8100, s15;
	s10 =	sadd.s32 $0x8100, s10  }
0x13c: {  	s11 =	sadd.s32 $0x8100, s11;
	s25 =	sadd.s32 $0x8100, s25;
	s6 =	sand.u32 $0x3C00, s6  }
0x13d: {  	s26 =	sadd.s32 $0x8100, s26;
	s20 =	sadd.s32 $0x8100, s20;
	s6 =	sadd.s32 s23, s6;
	[tilespmem:s18+$0x0 ss:$0x81] =	vst.msk $0xffff, v1  }
0x13e: {  	s29 =	sadd.s32 $0x8100, s29;
	s6 =	sand.u32 $0x3C00, s6;
	v1 =	vld.idx.msk [tilespmem:v0+s21+$0x0 ss:$0x1], $0xffff;
	s18 =	sadd.s32 $0xFFFFFD80, s12;
	[tilespmem:s22+$0x0 ss:$0x81] =	vst.msk $0xffff, v2  }
0x13f: {  	s21 =	rddreg [dreg:$0x4];
	v2 =	vld.idx.msk [tilespmem:v0+s9+$0x70 ss:$0x1], $0xffff;
	s9 =	sadd.s32 $0xFFFFFE00, s12;
	[tilespmem:s14+$0x0 ss:$0x81] =	vst.msk $0xffff, v3;
	s14 =	sand.u32 $0x3C00, s19  }
0x140: {  	s22 =	sadd.s32 $0xFFFFFF00, s12;
	p3 =	slt.s32 s13, s21;
	s21 =	sadd.s32 $0xFFFFFE80, s12  }
0x141: {  	[tilespmem:s4+$0x0 ss:$0x81] =	vst.msk $0xffff, v4;
	s4 =	sand.u32 $0x3C00, s18;
	s9 =	sand.u32 $0x3C00, s9;
	s19 =	sand.u32 $0x3C00, s22  }
0x142: {  	s22 =	sadd.s32 s23, s14;
	s18 =	sand.u32 $0x3C00, s21;
	s19 =	sadd.s32 s23, s19  }
0x143: {  	v3 =	vld.idx.msk [tilespmem:v0+s6+$0x60 ss:$0x1], $0xffff;
	[tilespmem:s28+$0x0 ss:$0x81] =	vst.msk $0xffff, v5;
	s21 =	rddreg [dreg:$0x3];
	s4 =	sadd.s32 s23, s4;
	s19 =	sand.u32 $0x3C00, s19  }
0x144: {  	[tilespmem:s3+$0x0 ss:$0x81] =	vst.msk $0xffff, v6;
	s9 =	sadd.s32 s23, s9;
	s3 =	sand.u32 $0x3C00, s22;
	s6 =	sadd.s32 s12, s21;
	v5 =	vld.idx.msk [tilespmem:v0+s19+$0x50 ss:$0x1], $0xffff  }
0x145: {  	s21 =	sand.u32 $0x3C00, s12;
	s18 =	sadd.s32 s23, s18;
	s4 =	sand.u32 $0x3C00, s4;
	[tilespmem:s27+$0x0 ss:$0x81] =	vst.msk $0xffff, v1;
	v1 =	vld.idx.msk [tilespmem:v0+s3+$0x10 ss:$0x1], $0xffff  }
0x146: {  	s22 =	sand.u32 $0x3C00, s9;
	s14 =	sadd.s32 $0xFFFFF880, s6;
	s18 =	sand.u32 $0x3C00, s18;
	[tilespmem:s5+$0x0 ss:$0x81] =	vst.msk $0xffff, v2;
	v2 =	vld.idx.msk [tilespmem:v0+s4+$0x20 ss:$0x1], $0xffff  }
0x147: {  	s5 =	sadd.s32 $0xFFFFFC80, s6;
	s6 =	sadd.s32 s23, s21;
	s21 =	sadd.s32 s24, s17;
	v4 =	vld.idx.msk [tilespmem:v0+s18+$0x40 ss:$0x1], $0xffff  }
0x148: {  	s30 =	sadd.s32 $0x8100, s30;
	s31 =	sadd.s32 $0x8100, s31;
	s27 =	sand.u32 $0x3C00, s14;
	[tilespmem:s21+$0x0 ss:$0x81] =	vst.msk $0xffff, v3;
	v3 =	vld.idx.msk [tilespmem:v0+s22+$0x30 ss:$0x1], $0xffff  }
0x149: {  	s0 =	sadd.s32 $0x8100, s0;
	s1 =	sadd.s32 $0x8100, s1;
	s18 =	sadd.s32 s24, s26;
	v6 =	vld.idx.msk [tilespmem:v0+s27+$0x0 ss:$0x1], $0xffff  }
0x14a: {  	s2 =	sadd.s32 $0x8100, s2;
	s7 =	sadd.s32 $0x8100, s7;
	s19 =	sadd.s32 s24, s25;
	v7 =	vld.idx.msk [tilespmem:v0+s27+$0x10 ss:$0x1], $0xffff;
	[tilespmem:s18+$0x0 ss:$0x81] =	vst.msk $0xffff, v1  }
0x14b: {  	s8 =	sadd.s32 $0x8100, s8;
	s28 =	sadd.s32 s24, s30;
	s4 =	sadd.s32 s24, s10;
	v1 =	vld.idx.msk [tilespmem:v0+s27+$0x20 ss:$0x1], $0xffff;
	[tilespmem:s19+$0x0 ss:$0x81] =	vst.msk $0xffff, v2  }
.Ltmp13:
0x14c: {  	s12 =	sadd.s32 $0x800, s12;
	s22 =	sadd.s32 s24, s11;
	v2 =	vld.idx.msk [tilespmem:v0+s27+$0x30 ss:$0x1], $0xffff;
	[tilespmem:s4+$0x0 ss:$0x81] =	vst.msk $0xffff, v4;
	(pc) =	sbr.rel @p3 .LBB1_10-.Ltmp13, $4  }
0x14d: {  	s14 =	sadd.s32 s24, s0;
	s3 =	sadd.s32 s24, s29;
	s19 =	sadd.s32 s24, s15;
	v4 =	vld.idx.msk [tilespmem:v0+s27+$0x50 ss:$0x1], $0xffff;
	[tilespmem:s22+$0x0 ss:$0x81] =	vst.msk $0xffff, v3  }
0x14e: {  	s21 =	sand.u32 $0x3C00, s5;
	s9 =	sand.u32 $0x3C00, s6;
	s5 =	sadd.s32 s24, s8;
	v3 =	vld.idx.msk [tilespmem:v0+s27+$0x40 ss:$0x1], $0xffff;
	[tilespmem:s19+$0x0 ss:$0x81] =	vst.msk $0xffff, v5  }
0x14f: {  	s6 =	sadd.s32 s24, s7;
	s18 =	sadd.s32 s24, s2;
	s4 =	sadd.s32 s24, s31;
	[tilespmem:s5+$0x0 ss:$0x81] =	vst.msk $0xffff, v6;
	v5 =	vld.idx.msk [tilespmem:v0+s27+$0x60 ss:$0x1], $0xffff  }
0x150: {  	s22 =	sadd.s32 s24, s1;
	[tilespmem:s6+$0x0 ss:$0x81] =	vst.msk $0xffff, v7;
	v6 =	vld.idx.msk [tilespmem:v0+s27+$0x70 ss:$0x1], $0xffff;
	s27 =	sadd.s32 s24, s20;
	s5 =	sadd.s32 s24, s16  }
.LBB1_11:
0x151: {  	_ =	sdelay $0x2  }
0x152: {  	[tilespmem:s18+$0x0 ss:$0x81] =	vst.msk $0xffff, v1  }
0x153: {  	v62 =	vld.idx.msk [tilespmem:v0+s21+$0x0 ss:$0x1], $0xffff;
	[tilespmem:s22+$0x0 ss:$0x81] =	vst.msk $0xffff, v2  }
0x154: {  	v63 =	vld.idx.msk [tilespmem:v0+s9+$0x70 ss:$0x1], $0xffff;
	[tilespmem:s14+$0x0 ss:$0x81] =	vst.msk $0xffff, v3  }
0x155: {  	[tilespmem:s4+$0x0 ss:$0x81] =	vst.msk $0xffff, v4  }
0x156: {  	[tilespmem:s28+$0x0 ss:$0x81] =	vst.msk $0xffff, v5  }
0x157: {  	[tilespmem:s3+$0x0 ss:$0x81] =	vst.msk $0xffff, v6  }
0x158: {  	[tilespmem:s27+$0x0 ss:$0x81] =	vst.msk $0xffff, v62  }
0x159: {  	[tilespmem:s5+$0x0 ss:$0x81] =	vst.msk $0xffff, v63  }
0x15a: {  	s6 =	rddreg [dreg:$0x1a]  }
0x15b: {  	s7 =	sld [smem:$0x7FD]  }
0x15c: {  	s12 =	rddreg [dreg:$0x4]  }
0x15d: {  	s8 =	sld [smem:$0x7EC]  }
0x15e: {  	s9 =	sld [smem:$0x7D7]  }
0x15f: {  	s10 =	rddreg [dreg:$0x3]  }
0x160: {  	s11 =	sld [smem:$0x7D6]  }
0x161: {  	s2 =	sld [smem:$0x7D8]  }
.LBB1_12:
.Ltmp14:
0x162: {  	(pc) =	sbr.rel @p2 .LBB1_15-.Ltmp14, $1  }
0x163: {  	_ =	sdelay $0x3  }
0x164: {  	s0 =	sld [smem:$0x7EB];
	_ =	sdelay $0x2  }
0x165: {  	s0 =	sadd.s32 s2, s0;
	s2 =	sld [smem:$0x7FB]  }
0x166: {  	s1 =	sand.u32 $0x380, s23  }
0x167: {  	s3 =	smov.u32 s12;
	s1 =	sadd.s32 s1, s8  }
.LBB1_14:
0x168: {  	s4 =	sand.u32 $0x3C00, s2  }
0x169: {  	s4 =	sadd.s32 s23, s4  }
0x16a: {  	s4 =	sand.u32 $0x3C00, s4  }
0x16b: {  	s5 =	sand.u32 $0x70, s3;
	s4 =	sadd.s32 s4, s1  }
0x16c: {  	s3 =	sadd.s32 $0x10, s3;
	s4 =	sadd.s32 s5, s4  }
0x16d: {  	p3 =	slt.s32 s3, s7;
	v0 =	vld [tilespmem:s4+$0x0]  }
.Ltmp15:
0x16e: {  	_ = 	snop;
	(pc) =	sbr.rel @p3 .LBB1_14-.Ltmp15, $2  }
0x16f: {  	_ =	sdelay $0x2  }
0x170: {  	s2 =	sadd.s32 $0x80, s2;
	[tilespmem:s0+$0x0 ss:$0x81] =	vst.msk $0xffff, v0;
	s0 =	sadd.s32 $0x810, s0  }
.Ltmp16:
0x171: {  	_ = 	snop;
	(pc) =	sbr.rel .LBB1_15-.Ltmp16, $1  }
0x172: {  	_ =	sdelay $0x3  }
.LBB1_20:
0x173: {  	_ =	sfence.sel $0x180000  }
0x174: {  	s0 =	simm.s32 $0x1;
	[bflag:$0x0] =	sbarrier.arrive $0xFFFF  }
0x175: {  	s30 =	simm.s32 $0x2;
	[sflag:s0] =	ssyncpa.u1 $0x1  }
0x176: {  	[sflag:s30] =	ssyncpa.u1 $0x1  }
0x177: {  	_ =	strace $0x90000047  }
0x178: {  	s31 =	stileid.u32;
	[bflag:$0x2] =	sbarrier.arrive $0xFFFF  }
0x179: {  	p0 =	sne.s32 s31, $0x0;
	s0 =	rddreg [dreg:$0x2]  }
0x17a: {  	s0 =	sadd.s32 @!p0 $0x100000, s0  }
0x17b: {  	[sflag:s0] =	ssyncadd.tile.s32 @!p0 $0x1;
	_ =	shalt  }
.Lfunc_end1:
_tile_overlayer_lowered:
.L_overlay_start_2:
0x17c: {  	(tag) =	ssettag $0x2  }
0x17d: {  	s0 =	rddreg [dreg:$0x0];
	s2 =	stileid.u32  }
0x17e: {  	s1 =	rddreg [dreg:$0x1];
	p0 =	sne.s32 s2, $0x0  }
0x17f: {  	s3 =	rddreg [dreg:$0x2];
	[bflag:$0x3] =	sbarrier.arrive $0xFFFF;
	s2 =	simm.s32 @!p0 $0x1C01  }
0x180: {  	[timem:s3], [sflag:s2] =	dma.local @!p0 [hbm:s0], s1  }
0x181: {  	s0 =	simm.s32 @!p0 $0x1  }
0x182: {  	_ =	swait.ge @!p0 [sflag:s0], s1  }
0x183: {  	s1 =	ssub.s32 @!p0 $0x0, s1;
	[sflag:s0] =	ssyncset.done @!p0 $0x0  }
0x184: {  	[sflag:s0] =	ssyncadd.s32 @!p0 s1  }
0x185: {  	[bflag:$0x3] =	sbarrier.arrive $0xFFFF  }
0x186: {  	_ =	shalt  }

</sc_bundles>
